<compile_context>
chip_gen: v7x
topology: tpu7x:2x2x1
jax: 0.10.2.dev20260603
libtpu: 0.0.44.dev20260713+nightly
codegen_flags: <defaults>
</compile_context>

<pallas_src>
import functools

import jax
import jax.numpy as jnp
from jax import lax
from jax.experimental import pallas as pl
from jax.experimental.pallas import tpu as pltpu
from jax.experimental.pallas import tpu_sc as plsc

_VOCAB = 50257
_D = 2048
_T = 2048

_NC = 2
_NS = 16
_NW = _NC * _NS
_ROWS_PER_W = _T // _NW
_CHUNK = 32
_NCHUNK = _ROWS_PER_W // _CHUNK


def _sc_gather_body(table_hbm, idx_hbm, out_hbm, idx_v, rows_v, sem):
    wid = lax.axis_index("s") * _NC + lax.axis_index("c")
    base = wid * _ROWS_PER_W
    for c in range(_NCHUNK):
        off = base + c * _CHUNK
        pltpu.sync_copy(idx_hbm.at[pl.ds(off, _CHUNK)], idx_v.at[c])
        pltpu.async_copy(table_hbm.at[idx_v.at[c]], rows_v, sem).wait()
        pltpu.sync_copy(rows_v, out_hbm.at[pl.ds(off, _CHUNK)])


@jax.jit
def _sc_gather(table, idx_flat):
    mesh = plsc.VectorSubcoreMesh(core_axis_name="c", subcore_axis_name="s")
    f = pl.kernel(
        _sc_gather_body,
        out_type=jax.ShapeDtypeStruct((_T, _D), jnp.float32),
        mesh=mesh,
        scratch_types=[
            pltpu.VMEM((_NCHUNK, _CHUNK), jnp.int32),
            pltpu.VMEM((_CHUNK, _D), jnp.float32),
            pltpu.SemaphoreType.DMA,
        ],
    )
    return f(table, idx_flat)


def _ln_body(tok_ref, pos_ref, g_ref, b_ref, o_ref):
    x = tok_ref[...] + pos_ref[...]
    m = jnp.mean(x, axis=-1, keepdims=True)
    xc = x - m
    v = jnp.mean(xc * xc, axis=-1, keepdims=True)
    y = xc * lax.rsqrt(v + 1e-5) * g_ref[...] + b_ref[...]
    o_ref[...] = y.astype(jnp.bfloat16)


_LN_BT = 256


def _ln(tok_emb, pos, gamma, beta):
    return pl.pallas_call(
        _ln_body,
        grid=(_T // _LN_BT,),
        in_specs=[
            pl.BlockSpec((_LN_BT, _D), lambda t: (t, 0)),
            pl.BlockSpec((_LN_BT, _D), lambda t: (t, 0)),
            pl.BlockSpec((1, _D), lambda t: (0, 0)),
            pl.BlockSpec((1, _D), lambda t: (0, 0)),
        ],
        out_specs=pl.BlockSpec((_LN_BT, _D), lambda t: (t, 0)),
        out_shape=jax.ShapeDtypeStruct((_T, _D), jnp.bfloat16),
    )(tok_emb, pos, gamma, beta)


def _mm_body(x_ref, w_ref, o_ref):
    w = w_ref[...].astype(jnp.bfloat16)
    o_ref[...] = lax.dot_general(
        x_ref[...], w, (((1,), (1,)), ((), ())),
        preferred_element_type=jnp.float32)


_MM_BV = 1024


def _mm(x_bf16, w):
    nv = pl.cdiv(_VOCAB, _MM_BV)
    return pl.pallas_call(
        _mm_body,
        grid=(nv,),
        in_specs=[
            pl.BlockSpec((_T, _D), lambda v: (0, 0)),
            pl.BlockSpec((_MM_BV, _D), lambda v: (v, 0)),
        ],
        out_specs=pl.BlockSpec((_T, _MM_BV), lambda v: (0, v)),
        out_shape=jax.ShapeDtypeStruct((_T, _VOCAB), jnp.float32),
    )(x_bf16, w)


def kernel(idx, tok_table, pos_table, ln_gamma, ln_beta, W_lm):
    idx_flat = idx.reshape(_T).astype(jnp.int32)
    tok_emb = _sc_gather(tok_table, idx_flat)
    x = _ln(tok_emb, pos_table,
            ln_gamma.reshape(1, _D), ln_beta.reshape(1, _D))
    logits = _mm(x, W_lm)
    return logits[None]

# --- scband reference (transcript-rebuilt; emitter-appended) ---
"""Pipeline reference for scband-base-gpt-32358283608138 (READ-ONLY COPY).

The authoritative reference and input builder live on the scoring server;
editing this copy changes nothing except your own understanding.
"""

import jax, jax.numpy as jnp
import numpy as np

VOCAB = 50257
BLOCK = 2048
D = 2048
B = 1
T = 2048

def setup_inputs(seed: int = 0) -> dict:
    key = jax.random.key(seed)
    k1, k2, k3, k4 = jax.random.split(key, 4)
    idx = jax.random.randint(k1, (B, T), 0, VOCAB, dtype=jnp.int64) if jax.config.jax_enable_x64 else jax.random.randint(k1, (B, T), 0, VOCAB, dtype=jnp.int32)
    tok_table = jax.random.normal(k2, (VOCAB, D), dtype=jnp.float32) * 0.02
    pos_table = jax.random.normal(k3, (BLOCK, D), dtype=jnp.float32) * 0.02
    ln_gamma = jnp.ones((D,), dtype=jnp.float32)
    ln_beta = jnp.zeros((D,), dtype=jnp.float32)
    W_lm = jax.random.normal(k4, (VOCAB, D), dtype=jnp.float32) * 0.02
    return {"idx": idx, "tok_table": tok_table, "pos_table": pos_table,
            "ln_gamma": ln_gamma, "ln_beta": ln_beta, "W_lm": W_lm}

def _layernorm(x, gamma, beta, eps=1e-5):
    mean = jnp.mean(x, axis=-1, keepdims=True)
    var = jnp.var(x, axis=-1, keepdims=True)
    return (x - mean) / jnp.sqrt(var + eps) * gamma + beta

def reference(idx, tok_table, pos_table, ln_gamma, ln_beta, W_lm):
    # get_embeddings: tok_emb + pos_emb
    Tlen = idx.shape[1]
    pos = jnp.arange(0, Tlen)
    tok_emb = jnp.take(tok_table, idx, axis=0)          # [B, T, D]
    pos_emb = jnp.take(pos_table, pos, axis=0)          # [T, D]
    x = tok_emb + pos_emb[None, :, :]
    # final LayerNorm (ln_f)
    x = _layernorm(x, ln_gamma, ln_beta)
    # lm_head: Linear(n_embd -> vocab, bias=False)
    logits = jnp.einsum('btd,vd->btv', x, W_lm)
    return logits

if __name__ == "__main__":
    import jax
    _d = setup_inputs()
    print(jax.jit(kernel)(*tuple(_d.values())))

</pallas_src>

<mosaic_0001>
#map = affine_map<(d0, d1) -> (0, 0)>
#map1 = affine_map<(d0, d1) -> (0)>
module attributes {stable_mosaic.version = 14 : i64} {
  func.func @_sc_gather_body(%arg0: i32, %arg1: i32, %arg2: memref<50257x2048xf32, #tpu.memory_space<hbm>>, %arg3: memref<2048xi32, #tpu.memory_space<hbm>>, %arg4: memref<2048x2048xf32, #tpu.memory_space<hbm>>, %arg5: memref<2x32xi32, #tpu.memory_space<vmem>>, %arg6: memref<32x2048xf32, #tpu.memory_space<vmem>>, %arg7: memref<!tpu.dma_semaphore, #tpu.memory_space<semaphore_mem>>) attributes {dimension_semantics = [#tpu.dimension_semantics<core_parallel>, #tpu.dimension_semantics<subcore_parallel>], iteration_bounds = array<i64: 2, 16>, scalar_prefetch = 0 : i64, scratch_operands = 3 : i64, tpu.core_type = #tpu.core_type<sc_vector_subcore>, window_params = [{transform_indices = #map}, {transform_indices = #map1}, {transform_indices = #map}]} {
    %mul3A = arith.constant 2 : i32
    %mul3A_0 = arith.muli %arg1, %mul3A : i32
    %add3A = arith.addi %mul3A_0, %arg0 : i32
    %mul3A_1 = arith.constant 64 : i32
    %mul3A_2 = arith.muli %add3A, %mul3A_1 : i32
    %add3A_3 = arith.constant 0 : i32
    %add3A_4 = arith.addi %mul3A_2, %add3A_3 : i32
    %run_scoped3A = arith.constant 0 : i32
    "tpu.region"() ({
      %run_scoped3A_34 = tpu.sem_alloc : memref<!tpu.dma_semaphore, #tpu.memory_space<semaphore_mem>>
      %dma_start3A_35 = arith.constant 0 : i32
      %dma_start3A_36 = tpu.memref_slice %arg5[%run_scoped3A, %dma_start3A_35] : memref<2x32xi32, #tpu.memory_space<vmem>> -> memref<1x32xi32, #tpu.memory_space<vmem>>
      %dma_start3A_37 = tpu.memref_squeeze %dma_start3A_36 : memref<1x32xi32, #tpu.memory_space<vmem>> -> memref<32xi32, #tpu.memory_space<vmem>>
      %dma_start3A_38 = tpu.memref_slice %arg3[%add3A_4] : memref<2048xi32, #tpu.memory_space<hbm>> -> memref<32xi32, #tpu.memory_space<hbm>>
      %dma_start3A_39 = arith.constant 0 : i32
      %dma_start3A_40 = tpu.memref_slice %arg5[%run_scoped3A, %dma_start3A_39] : memref<2x32xi32, #tpu.memory_space<vmem>> -> memref<1x32xi32, #tpu.memory_space<vmem>>
      %dma_start3A_41 = tpu.memref_squeeze %dma_start3A_40 : memref<1x32xi32, #tpu.memory_space<vmem>> -> memref<32xi32, #tpu.memory_space<vmem>>
      %dma_start3A_42 = tpu.memref_slice %arg3[%add3A_4] : memref<2048xi32, #tpu.memory_space<hbm>> -> memref<32xi32, #tpu.memory_space<hbm>>
      tpu.enqueue_dma source(%dma_start3A_42 : memref<32xi32, #tpu.memory_space<hbm>>) target(%dma_start3A_41 : memref<32xi32, #tpu.memory_space<vmem>>) target_semaphore(%run_scoped3A_34 : memref<!tpu.dma_semaphore, #tpu.memory_space<semaphore_mem>>)
      %dma_wait3A_43 = arith.constant 0 : i32
      %dma_wait3A_44 = tpu.memref_slice %arg5[%run_scoped3A, %dma_wait3A_43] : memref<2x32xi32, #tpu.memory_space<vmem>> -> memref<1x32xi32, #tpu.memory_space<vmem>>
      %dma_wait3A_45 = tpu.memref_squeeze %dma_wait3A_44 : memref<1x32xi32, #tpu.memory_space<vmem>> -> memref<32xi32, #tpu.memory_space<vmem>>
      %dma_wait3A_46 = tpu.memref_slice %arg3[%add3A_4] : memref<2048xi32, #tpu.memory_space<hbm>> -> memref<32xi32, #tpu.memory_space<hbm>>
      %dma_wait3A_47 = arith.constant 0 : i32
      %dma_wait3A_48 = tpu.memref_slice %arg5[%run_scoped3A, %dma_wait3A_47] : memref<2x32xi32, #tpu.memory_space<vmem>> -> memref<1x32xi32, #tpu.memory_space<vmem>>
      %dma_wait3A_49 = tpu.memref_squeeze %dma_wait3A_48 : memref<1x32xi32, #tpu.memory_space<vmem>> -> memref<32xi32, #tpu.memory_space<vmem>>
      %dma_wait3A_50 = tpu.memref_slice %arg3[%add3A_4] : memref<2048xi32, #tpu.memory_space<hbm>> -> memref<32xi32, #tpu.memory_space<hbm>>
      tpu.wait_dma2 semaphore(%run_scoped3A_34 : memref<!tpu.dma_semaphore, #tpu.memory_space<semaphore_mem>>) src(%dma_wait3A_50 : memref<32xi32, #tpu.memory_space<hbm>>) dst(%dma_wait3A_49 : memref<32xi32, #tpu.memory_space<vmem>>)
      tpu.yield
    }) : () -> ()
    %dma_start3A = arith.constant 0 : i32
    %dma_start3A_5 = arith.constant 0 : i32
    %dma_start3A_6 = tpu.memref_slice %arg5[%dma_start3A, %dma_start3A_5] : memref<2x32xi32, #tpu.memory_space<vmem>> -> memref<1x32xi32, #tpu.memory_space<vmem>>
    %dma_start3A_7 = tpu.memref_squeeze %dma_start3A_6 : memref<1x32xi32, #tpu.memory_space<vmem>> -> memref<32xi32, #tpu.memory_space<vmem>>
    %dma_start3A_8 = arith.constant 0 : i32
    %dma_start3A_9 = arith.constant 0 : i32
    %dma_start3A_10 = tpu.memref_slice %arg2[%dma_start3A_8, %dma_start3A_9] : memref<50257x2048xf32, #tpu.memory_space<hbm>> -> memref<50257x2048xf32, #tpu.memory_space<hbm>>
    tpu.enqueue_indirect_dma source(%dma_start3A_10 : memref<50257x2048xf32, #tpu.memory_space<hbm>>) target(%arg6 : memref<32x2048xf32, #tpu.memory_space<vmem>>) offsets(%dma_start3A_7 : memref<32xi32, #tpu.memory_space<vmem>>) semaphore(%arg7 : memref<!tpu.dma_semaphore, #tpu.memory_space<semaphore_mem>>)
    %dma_wait3A = arith.constant 0 : i32
    %dma_wait3A_11 = arith.constant 0 : i32
    %dma_wait3A_12 = tpu.memref_slice %arg5[%dma_wait3A, %dma_wait3A_11] : memref<2x32xi32, #tpu.memory_space<vmem>> -> memref<1x32xi32, #tpu.memory_space<vmem>>
    %dma_wait3A_13 = tpu.memref_squeeze %dma_wait3A_12 : memref<1x32xi32, #tpu.memory_space<vmem>> -> memref<32xi32, #tpu.memory_space<vmem>>
    %dma_wait3A_14 = arith.constant 0 : i32
    %dma_wait3A_15 = arith.constant 0 : i32
    %dma_wait3A_16 = tpu.memref_slice %arg2[%dma_wait3A_14, %dma_wait3A_15] : memref<50257x2048xf32, #tpu.memory_space<hbm>> -> memref<50257x2048xf32, #tpu.memory_space<hbm>>
    tpu.wait_indirect_dma semaphore(%arg7 : memref<!tpu.dma_semaphore, #tpu.memory_space<semaphore_mem>>) src(%dma_wait3A_16 : memref<50257x2048xf32, #tpu.memory_space<hbm>>) dst(%arg6 : memref<32x2048xf32, #tpu.memory_space<vmem>>)
    "tpu.region"() ({
      %run_scoped3A_34 = tpu.sem_alloc : memref<!tpu.dma_semaphore, #tpu.memory_space<semaphore_mem>>
      %dma_start3A_35 = arith.constant 0 : i32
      %dma_start3A_36 = tpu.memref_slice %arg4[%add3A_4, %dma_start3A_35] : memref<2048x2048xf32, #tpu.memory_space<hbm>> -> memref<32x2048xf32, #tpu.memory_space<hbm>>
      %dma_start3A_37 = arith.constant 0 : i32
      %dma_start3A_38 = tpu.memref_slice %arg4[%add3A_4, %dma_start3A_37] : memref<2048x2048xf32, #tpu.memory_space<hbm>> -> memref<32x2048xf32, #tpu.memory_space<hbm>>
      tpu.enqueue_dma source(%arg6 : memref<32x2048xf32, #tpu.memory_space<vmem>>) target(%dma_start3A_38 : memref<32x2048xf32, #tpu.memory_space<hbm>>) target_semaphore(%run_scoped3A_34 : memref<!tpu.dma_semaphore, #tpu.memory_space<semaphore_mem>>)
      %dma_wait3A_39 = arith.constant 0 : i32
      %dma_wait3A_40 = tpu.memref_slice %arg4[%add3A_4, %dma_wait3A_39] : memref<2048x2048xf32, #tpu.memory_space<hbm>> -> memref<32x2048xf32, #tpu.memory_space<hbm>>
      %dma_wait3A_41 = arith.constant 0 : i32
      %dma_wait3A_42 = tpu.memref_slice %arg4[%add3A_4, %dma_wait3A_41] : memref<2048x2048xf32, #tpu.memory_space<hbm>> -> memref<32x2048xf32, #tpu.memory_space<hbm>>
      tpu.wait_dma2 semaphore(%run_scoped3A_34 : memref<!tpu.dma_semaphore, #tpu.memory_space<semaphore_mem>>) src(%arg6 : memref<32x2048xf32, #tpu.memory_space<vmem>>) dst(%dma_wait3A_42 : memref<32x2048xf32, #tpu.memory_space<hbm>>)
      tpu.yield
    }) : () -> ()
    %add3A_17 = arith.constant 32 : i32
    %add3A_18 = arith.addi %mul3A_2, %add3A_17 : i32
    %run_scoped3A_19 = arith.constant 1 : i32
    "tpu.region"() ({
      %run_scoped3A_34 = tpu.sem_alloc : memref<!tpu.dma_semaphore, #tpu.memory_space<semaphore_mem>>
      %dma_start3A_35 = arith.constant 0 : i32
      %dma_start3A_36 = tpu.memref_slice %arg5[%run_scoped3A_19, %dma_start3A_35] : memref<2x32xi32, #tpu.memory_space<vmem>> -> memref<1x32xi32, #tpu.memory_space<vmem>>
      %dma_start3A_37 = tpu.memref_squeeze %dma_start3A_36 : memref<1x32xi32, #tpu.memory_space<vmem>> -> memref<32xi32, #tpu.memory_space<vmem>>
      %dma_start3A_38 = tpu.memref_slice %arg3[%add3A_18] : memref<2048xi32, #tpu.memory_space<hbm>> -> memref<32xi32, #tpu.memory_space<hbm>>
      %dma_start3A_39 = arith.constant 0 : i32
      %dma_start3A_40 = tpu.memref_slice %arg5[%run_scoped3A_19, %dma_start3A_39] : memref<2x32xi32, #tpu.memory_space<vmem>> -> memref<1x32xi32, #tpu.memory_space<vmem>>
      %dma_start3A_41 = tpu.memref_squeeze %dma_start3A_40 : memref<1x32xi32, #tpu.memory_space<vmem>> -> memref<32xi32, #tpu.memory_space<vmem>>
      %dma_start3A_42 = tpu.memref_slice %arg3[%add3A_18] : memref<2048xi32, #tpu.memory_space<hbm>> -> memref<32xi32, #tpu.memory_space<hbm>>
      tpu.enqueue_dma source(%dma_start3A_42 : memref<32xi32, #tpu.memory_space<hbm>>) target(%dma_start3A_41 : memref<32xi32, #tpu.memory_space<vmem>>) target_semaphore(%run_scoped3A_34 : memref<!tpu.dma_semaphore, #tpu.memory_space<semaphore_mem>>)
      %dma_wait3A_43 = arith.constant 0 : i32
      %dma_wait3A_44 = tpu.memref_slice %arg5[%run_scoped3A_19, %dma_wait3A_43] : memref<2x32xi32, #tpu.memory_space<vmem>> -> memref<1x32xi32, #tpu.memory_space<vmem>>
      %dma_wait3A_45 = tpu.memref_squeeze %dma_wait3A_44 : memref<1x32xi32, #tpu.memory_space<vmem>> -> memref<32xi32, #tpu.memory_space<vmem>>
      %dma_wait3A_46 = tpu.memref_slice %arg3[%add3A_18] : memref<2048xi32, #tpu.memory_space<hbm>> -> memref<32xi32, #tpu.memory_space<hbm>>
      %dma_wait3A_47 = arith.constant 0 : i32
      %dma_wait3A_48 = tpu.memref_slice %arg5[%run_scoped3A_19, %dma_wait3A_47] : memref<2x32xi32, #tpu.memory_space<vmem>> -> memref<1x32xi32, #tpu.memory_space<vmem>>
      %dma_wait3A_49 = tpu.memref_squeeze %dma_wait3A_48 : memref<1x32xi32, #tpu.memory_space<vmem>> -> memref<32xi32, #tpu.memory_space<vmem>>
      %dma_wait3A_50 = tpu.memref_slice %arg3[%add3A_18] : memref<2048xi32, #tpu.memory_space<hbm>> -> memref<32xi32, #tpu.memory_space<hbm>>
      tpu.wait_dma2 semaphore(%run_scoped3A_34 : memref<!tpu.dma_semaphore, #tpu.memory_space<semaphore_mem>>) src(%dma_wait3A_50 : memref<32xi32, #tpu.memory_space<hbm>>) dst(%dma_wait3A_49 : memref<32xi32, #tpu.memory_space<vmem>>)
      tpu.yield
    }) : () -> ()
    %dma_start3A_20 = arith.constant 1 : i32
    %dma_start3A_21 = arith.constant 0 : i32
    %dma_start3A_22 = tpu.memref_slice %arg5[%dma_start3A_20, %dma_start3A_21] : memref<2x32xi32, #tpu.memory_space<vmem>> -> memref<1x32xi32, #tpu.memory_space<vmem>>
    %dma_start3A_23 = tpu.memref_squeeze %dma_start3A_22 : memref<1x32xi32, #tpu.memory_space<vmem>> -> memref<32xi32, #tpu.memory_space<vmem>>
    %dma_start3A_24 = arith.constant 0 : i32
    %dma_start3A_25 = arith.constant 0 : i32
    %dma_start3A_26 = tpu.memref_slice %arg2[%dma_start3A_24, %dma_start3A_25] : memref<50257x2048xf32, #tpu.memory_space<hbm>> -> memref<50257x2048xf32, #tpu.memory_space<hbm>>
    tpu.enqueue_indirect_dma source(%dma_start3A_26 : memref<50257x2048xf32, #tpu.memory_space<hbm>>) target(%arg6 : memref<32x2048xf32, #tpu.memory_space<vmem>>) offsets(%dma_start3A_23 : memref<32xi32, #tpu.memory_space<vmem>>) semaphore(%arg7 : memref<!tpu.dma_semaphore, #tpu.memory_space<semaphore_mem>>)
    %dma_wait3A_27 = arith.constant 1 : i32
    %dma_wait3A_28 = arith.constant 0 : i32
    %dma_wait3A_29 = tpu.memref_slice %arg5[%dma_wait3A_27, %dma_wait3A_28] : memref<2x32xi32, #tpu.memory_space<vmem>> -> memref<1x32xi32, #tpu.memory_space<vmem>>
    %dma_wait3A_30 = tpu.memref_squeeze %dma_wait3A_29 : memref<1x32xi32, #tpu.memory_space<vmem>> -> memref<32xi32, #tpu.memory_space<vmem>>
    %dma_wait3A_31 = arith.constant 0 : i32
    %dma_wait3A_32 = arith.constant 0 : i32
    %dma_wait3A_33 = tpu.memref_slice %arg2[%dma_wait3A_31, %dma_wait3A_32] : memref<50257x2048xf32, #tpu.memory_space<hbm>> -> memref<50257x2048xf32, #tpu.memory_space<hbm>>
    tpu.wait_indirect_dma semaphore(%arg7 : memref<!tpu.dma_semaphore, #tpu.memory_space<semaphore_mem>>) src(%dma_wait3A_33 : memref<50257x2048xf32, #tpu.memory_space<hbm>>) dst(%arg6 : memref<32x2048xf32, #tpu.memory_space<vmem>>)
    "tpu.region"() ({
      %run_scoped3A_34 = tpu.sem_alloc : memref<!tpu.dma_semaphore, #tpu.memory_space<semaphore_mem>>
      %dma_start3A_35 = arith.constant 0 : i32
      %dma_start3A_36 = tpu.memref_slice %arg4[%add3A_18, %dma_start3A_35] : memref<2048x2048xf32, #tpu.memory_space<hbm>> -> memref<32x2048xf32, #tpu.memory_space<hbm>>
      %dma_start3A_37 = arith.constant 0 : i32
      %dma_start3A_38 = tpu.memref_slice %arg4[%add3A_18, %dma_start3A_37] : memref<2048x2048xf32, #tpu.memory_space<hbm>> -> memref<32x2048xf32, #tpu.memory_space<hbm>>
      tpu.enqueue_dma source(%arg6 : memref<32x2048xf32, #tpu.memory_space<vmem>>) target(%dma_start3A_38 : memref<32x2048xf32, #tpu.memory_space<hbm>>) target_semaphore(%run_scoped3A_34 : memref<!tpu.dma_semaphore, #tpu.memory_space<semaphore_mem>>)
      %dma_wait3A_39 = arith.constant 0 : i32
      %dma_wait3A_40 = tpu.memref_slice %arg4[%add3A_18, %dma_wait3A_39] : memref<2048x2048xf32, #tpu.memory_space<hbm>> -> memref<32x2048xf32, #tpu.memory_space<hbm>>
      %dma_wait3A_41 = arith.constant 0 : i32
      %dma_wait3A_42 = tpu.memref_slice %arg4[%add3A_18, %dma_wait3A_41] : memref<2048x2048xf32, #tpu.memory_space<hbm>> -> memref<32x2048xf32, #tpu.memory_space<hbm>>
      tpu.wait_dma2 semaphore(%run_scoped3A_34 : memref<!tpu.dma_semaphore, #tpu.memory_space<semaphore_mem>>) src(%arg6 : memref<32x2048xf32, #tpu.memory_space<vmem>>) dst(%dma_wait3A_42 : memref<32x2048xf32, #tpu.memory_space<hbm>>)
      tpu.yield
    }) : () -> ()
    return
  }
}

</mosaic_0001>

<sc_bundles>
// kernel: _sc_gather.3.cloned.1.call-start
scs
__scs_entry_jumppad:
0x0: {  	(pc) =	sbr.rel $0x88, $3  }
0x1: {  	(tag) =	ssettag $0x0;
	lr =	simm.s32 $0x1  }
0x2: {  	[smem:$0x3F9F] =	sst lr;
	_ =	strace $0xD0000000  }
0x3: {  	_ = 	snop  }
0x4: {  	_ = 	snop  }
0x5: {  	_ = 	snop  }
0x6: {  	_ = 	snop  }
0x7: {  	_ = 	snop  }
__scs_overlays_trampoline_lowered:
0x8: {  	[smem:$0x3FAE] =	sst s0  }
0x9: {  	[smem:$0x3FAF] =	sst s1  }
0xa: {  	[smem:$0x3FB0] =	sst s2  }
0xb: {  	[smem:$0x3FB1] =	sst s3  }
0xc: {  	[smem:$0x3FB2] =	sst s4  }
0xd: {  	[smem:$0x3FB3] =	sst s5  }
0xe: {  	[smem:$0x3FB4] =	sst s6  }
0xf: {  	[smem:$0x3FB5] =	sst s7  }
0x10: {  	[smem:$0x3FB6] =	sst s8  }
0x11: {  	[smem:$0x3FB7] =	sst s9;
	s0 =	simm.s32 @!p0 $0x0  }
0x12: {  	s1 =	sld [smem:$0x3F9D];
	s0 =	simm.s32 @p0 $0x1  }
0x13: {  	[smem:$0x3FB8] =	sst s0;
	s0 =	simm.s32 @!p1 $0x0  }
0x14: {  	s2 =	sld [smem:$0x3F9C];
	s0 =	simm.s32 @p1 $0x1  }
0x15: {  	[smem:$0x3FB9] =	sst s0;
	s0 =	simm.s32 @!p2 $0x0  }
0x16: {  	s3 =	sld [smem:$0x3FDB];
	s0 =	simm.s32 @p2 $0x1  }
0x17: {  	s4 =	simm.s32 $0x1BF5;
	[smem:$0x3FBB] =	sst s0  }
0x18: {  	s0 =	sld [smem:$0x3F9E];
	_ =	swait.ge [sflag:s4], $0x0  }
0x19: {  	s7 =	sld [smem:$0x3F9F]  }
0x1a: {  	s8 =	sadd.s32 $0xFFFFE003, lr  }
0x1b: {  	s9 =	sadd.s32 $0xFFFFFEF7, lr;
	s5 =	simm.s32 $0xFFFFFFFF;
	p2 =	slt.u32 s8, $0xFFFFF086  }
0x1c: {  	p1 =	slt.u32 s9, $0xF7A;
	s5 =	simm.s32 @!p2 $0x0  }
0x1d: {  	s5 =	simm.s32 @p1 $0x1;
	p0 =	seq.s32 s7, s2  }
0x1e: {  	s7 =	smul.u32 @!p0 $0xF7A, s2;
	p2 =	seq.s32 @!p0 s5, $0x0  }
0x1f: {  	s9 =	smul.u32 $0xF7A, s1;
	s8 =	simm.s32 @!p0 $0x1BF5;
	p2 =	por !p2, p0  }
0x20: {  	[sflag:s8] =	ssyncset.s32 @!p0 $0xFFFFF086;
	s6 =	sadd.s32 @!p0 s3, s7;
	s7 =	simm.s32 @!p0 $0x108  }
0x21: {  	s3 =	sadd.s32 s3, s9;
	s6 =	sadd.s32 @!p0 $0x88, s6;
	s7 =	simm.s32 @p2 $0x1082  }
0x22: {  	[simem:s7], [sflag:s8] =	dma.local @!p0 [hbm:s6], $0xF7A  }
0x23: {  	s9 =	sor.u32 $0xD0000000, s2;
	s6 =	simm.s32 $0x108;
	_ =	swait.ge @!p0 [sflag:s8], $0x0  }
0x24: {  	s3 =	sadd.s32 $0x88, s3;
	s6 =	simm.s32 @!p1 $0x1082;
	[sflag:s4] =	ssyncset.s32 $0xFFFFF086  }
0x25: {  	[simem:s6], [sflag:s4] =	dma.local [hbm:s3], $0xF7A  }
0x26: {  	[smem:$0x3F9F] =	sst s1;
	(tag) =	ssettag s2;
	_ =	strace s9  }
0x27: {  	s1 =	sld [smem:$0x3FAF]  }
0x28: {  	s2 =	sld [smem:$0x3FB0]  }
0x29: {  	s4 =	sld [smem:$0x3FB2]  }
0x2a: {  	p0 =	seq.s32 s5, $0x0;
	s5 =	sld [smem:$0x3FB3]  }
0x2b: {  	s6 =	sld [smem:$0x3FB4]  }
0x2c: {  	s7 =	sld [smem:$0x3FB5]  }
0x2d: {  	s3 =	simm.s32 $0x108;
	s8 =	sld [smem:$0x3FB6]  }
0x2e: {  	s3 =	simm.s32 @!p0 $0x1082;
	s9 =	sld [smem:$0x3FB7]  }
0x2f: {  	lr =	sadd.s32 s0, s3;
	s0 =	sld [smem:$0x3FAE]  }
0x30: {  	s3 =	sld [smem:$0x3FB1]  }
0x31: {  	[smem:$0x3FBA] =	sst s10  }
0x32: {  	s10 =	sld [smem:$0x3FB8];
	_ =	sdelay $0x3  }
0x33: {  	p0 =	seq.s32 s10, $0x1;
	s10 =	sld [smem:$0x3FBA];
	_ =	sdelay $0x3  }
0x34: {  	[smem:$0x3FBA] =	sst s10  }
0x35: {  	s10 =	sld [smem:$0x3FB9];
	_ =	sdelay $0x3  }
0x36: {  	p1 =	seq.s32 s10, $0x1;
	s10 =	sld [smem:$0x3FBA];
	_ =	sdelay $0x3  }
0x37: {  	[smem:$0x3FBA] =	sst s10  }
0x38: {  	s10 =	sld [smem:$0x3FBB]  }
0x39: {  	_ = 	snop;
	(pc) =	sbr.ind lr, $3  }
0x3a: {  	_ = 	snop  }
0x3b: {  	_ = 	snop  }
0x3c: {  	p2 =	seq.s32 s10, $0x1;
	s10 =	sld [smem:$0x3FBA]  }
0x3d: {  	_ =	shalt  }
0x3e: {  	_ =	shalt  }
0x3f: {  	_ =	shalt  }
0x40: {  	_ =	shalt  }
0x41: {  	_ =	shalt  }
0x42: {  	_ =	shalt  }
0x43: {  	_ =	shalt  }
0x44: {  	_ =	shalt  }
0x45: {  	_ =	shalt  }
0x46: {  	_ =	shalt  }
0x47: {  	_ =	shalt  }
0x48: {  	_ =	shalt  }
0x49: {  	_ =	shalt  }
0x4a: {  	_ =	shalt  }
0x4b: {  	_ =	shalt  }
0x4c: {  	_ =	shalt  }
0x4d: {  	_ =	shalt  }
0x4e: {  	_ =	shalt  }
0x4f: {  	_ =	shalt  }
0x50: {  	_ =	shalt  }
0x51: {  	_ =	shalt  }
0x52: {  	_ =	shalt  }
0x53: {  	_ =	shalt  }
0x54: {  	_ =	shalt  }
0x55: {  	_ =	shalt  }
0x56: {  	_ =	shalt  }
0x57: {  	_ =	shalt  }
0x58: {  	_ =	shalt  }
0x59: {  	_ =	shalt  }
0x5a: {  	_ =	shalt  }
0x5b: {  	_ =	shalt  }
0x5c: {  	_ =	shalt  }
0x5d: {  	_ =	shalt  }
0x5e: {  	_ =	shalt  }
0x5f: {  	_ =	shalt  }
0x60: {  	_ =	shalt  }
0x61: {  	_ =	shalt  }
0x62: {  	_ =	shalt  }
0x63: {  	_ =	shalt  }
0x64: {  	_ =	shalt  }
0x65: {  	_ =	shalt  }
0x66: {  	_ =	shalt  }
0x67: {  	_ =	shalt  }
0x68: {  	_ =	shalt  }
0x69: {  	_ =	shalt  }
0x6a: {  	_ =	shalt  }
0x6b: {  	_ =	shalt  }
0x6c: {  	_ =	shalt  }
0x6d: {  	_ =	shalt  }
0x6e: {  	_ =	shalt  }
0x6f: {  	_ =	shalt  }
0x70: {  	_ =	shalt  }
0x71: {  	_ =	shalt  }
0x72: {  	_ =	shalt  }
0x73: {  	_ =	shalt  }
0x74: {  	_ =	shalt  }
0x75: {  	_ =	shalt  }
0x76: {  	_ =	shalt  }
0x77: {  	_ =	shalt  }
0x78: {  	_ =	shalt  }
0x79: {  	_ =	shalt  }
0x7a: {  	_ =	shalt  }
0x7b: {  	_ =	shalt  }
0x7c: {  	_ =	shalt  }
0x7d: {  	_ =	shalt  }
0x7e: {  	_ =	shalt  }
0x7f: {  	_ =	shalt  }
0x80: {  	_ =	shalt  }
0x81: {  	_ =	shalt  }
0x82: {  	_ =	shalt  }
0x83: {  	_ =	shalt  }
0x84: {  	_ =	shalt  }
0x85: {  	_ =	shalt  }
0x86: {  	_ =	shalt  }
0x87: {  	_ =	shalt  }
.Lfunc_end0:
.L_simem_size_0:
called_computation_lowered:
.L_overlay_start_0:
0x88: {  	s2 =	sld [smem:$0x3FD9]  }
0x89: {  	s3 =	sld [smem:$0x3FFE];
	_ =	sdelay $0x1  }
0x8a: {  	s1 =	srdreg.scid  }
0x8b: {  	s0 =	sand.u32 $0x1, s1  }
0x8c: {  	s18 =	sshll.u32 s0, $0xA;
	s2 =	sadd.s32 s3, s2  }
0x8d: {  	s2 =	sadd.s32 s2, s18  }
0x8e: {  	[smem:$0x3FC6] =	sst s2  }
0x8f: {  	_ = 	snop  }
0x90: {  	s2 =	sld [smem:$0x3FC9]  }
0x91: {  	s19 =	sld [smem:$0x3FC8]  }
0x92: {  	s4 =	sld [smem:$0x3FD0];
	(tm) =	ssettm $0x1  }
0x93: {  	s5 =	sld [smem:$0x3FFB];
	_ =	sdelay $0x3  }
0x94: {  	_ =	strace s5  }
0x95: {  	s5 =	sld [smem:$0x3FFC];
	_ =	sdelay $0x3  }
0x96: {  	_ =	strace s5  }
0x97: {  	s5 =	sld [smem:$0x3FFD];
	_ =	sdelay $0x3  }
0x98: {  	_ =	strace s5  }
0x99: {  	_ =	strace $0x8FFFFFFF  }
0x9a: {  	s20 =	sld [smem:$0x3FDB];
	_ =	sdelay $0x1  }
0x9b: {  	s6 =	simm.s32 $_scs_section_size  }
0x9c: {  	s7 =	simm.s32 $_size__tile_overlayer_lowered;
	s8 =	simm.s32 $_tile_overlayer_lowered  }
0x9d: {  	s23 =	simm.s32 $0x1BFF;
	s22 =	sshll.u32 s8, $0x1;
	s5 =	sadd.s32 s6, s20  }
0x9e: {  	s9 =	simm.s32 $0x0;
	s21 =	sshll.u32 s7, $0x1;
	s7 =	sadd.s32 s22, s5  }
0x9f: {  	[timem:s9], [sflag:s23] =	dma.local [hbm:s7], s21  }
0xa0: {  	_ =	swait.ge [sflag:s23], s21  }
0xa1: {  	s6 =	ssub.s32 $0x0, s21;
	[sflag:s23] =	ssyncset.done $0x0  }
0xa2: {  	[sflag:s23] =	ssyncadd.s32 s6;
	_ =	sdelay $0x1  }
0xa3: {  	s24 =	simm.s32 $0x1B8B  }
0xa4: {  	_ =	swait.ge [sflag:s24], $0x1  }
0xa5: {  	[sflag:s24] =	ssyncset.done $0x0  }
0xa6: {  	s25 =	simm.s32 $0x1B8E;
	[sflag:s24] =	ssyncadd.s32 $0xFFFFFFFF  }
0xa7: {  	s26 =	simm.s32 $execute0_lowered;
	[smem:$0x3FD2] =	sst s25  }
0xa8: {  	s6 =	sshll.u32 s26, $0x1;
	_ =	strace $0x80000046;
	[dreg:$0x1] =	wrdreg $0xFFFFFFFF  }
0xa9: {  	s28 =	simm.s32 $_size_execute0_lowered;
	s5 =	sadd.s32 s5, s6;
	[dreg:$0x0] =	wrdreg $0x0  }
0xaa: {  	s6 =	sshll.u32 s28, $0x1;
	[dreg:$0x2] =	wrdreg s5  }
0xab: {  	[dreg:$0x3] =	wrdreg s6  }
0xac: {  	[dreg:$0x4] =	wrdreg $0xC0  }
0xad: {  	_ =	task [dreg:s9], $0x5FFFF  }
0xae: {  	[dreg:$0x1] =	wrdreg $0xFFFFFFFF  }
0xaf: {  	[dreg:$0x0] =	wrdreg $0x60  }
0xb0: {  	[dreg:$0x2] =	wrdreg s2  }
0xb1: {  	[dreg:$0x3] =	wrdreg s19  }
0xb2: {  	[dreg:$0x4] =	wrdreg s4  }
0xb3: {  	[dreg:$0x5] =	wrdreg $0x9  }
0xb4: {  	_ =	task.clear_ibuf [dreg:s9], $0x6FFFF;
	_ =	strace $0x90000046  }
0xb5: {  	s29 =	simm.s32 $0x9;
	_ =	strace $0x80000048  }
0xb6: {  	_ =	swait.ge [sflag:s29], $0x1  }
0xb7: {  	[sflag:s29] =	ssyncadd.s32 $0xFFFFFFFF  }
0xb8: {  	_ =	strace $0x90000048  }
0xb9: {  	_ =	sfence  }
0xba: {  	s30 =	sld [smem:$0x0];
	_ =	sdelay $0x2  }
0xbb: {  	s31 =	sshll.u32 s1, $0xD;
	s1 =	sshrl.u32 s1, $0x2  }
0xbc: {  	s3 =	sand.u32 $0x4000, s31;
	s1 =	sadd.s32 s1, s30  }
0xbd: {  	s0 =	sor.u32 s3, s0;
	s1 =	sshll.u32 s1, $0x11  }
0xbe: {  	s0 =	sor.u32 s1, s0  }
0xbf: {  	s0 =	sadd.s32 $0x8F2B, s0  }
0xc0: {  	[sflag:s0] =	ssyncadd.remote.s32 $0x1  }
0xc1: {  	_ =	sfence.sel $0xFFFF  }
0xc2: {  	[dreg:$0x0] =	wrdreg $0xFFFFFFFF;
	(pc) =	sbr.abs _section_cstart, $3  }
0xc3: {  	[dreg:$0x1] =	wrdreg $0xFFFFFFFF  }
0xc4: {  	_ =	task.clear_ibuf [dreg:s9], $0x2FFFF;
	_ =	strace $0x9FFFFFFF  }
0xc5: {  	(tm) =	ssettm $0x7FFFFFFF  }
tec
execute0_lowered:
.L_overlay_start_1:
0x0: {  	(tag) =	ssettag $0x1  }
0x1: {  	s1 =	rddreg [dreg:$0x0];
	s0 =	srdreg.scid  }
0x2: {  	s2 =	rddreg [dreg:$0x1];
	s3 =	stileid.u32  }
0x3: {  	s10 =	rddreg [dreg:$0x2];
	s29 =	simm.s32 $0x80;
	s30 =	simm.s32 $0x900  }
0x4: {  	s31 =	simm.s32 $0x1100;
	s14 =	simm.s32 $0x2900;
	s15 =	simm.s32 $0x3100  }
0x5: {  	s16 =	simm.s32 $0x3900;
	s17 =	simm.s32 $0x4100;
	s18 =	simm.s32 $0x4900  }
0x6: {  	s19 =	simm.s32 $0x5100;
	s20 =	simm.s32 $0x5900;
	s21 =	simm.s32 $0x6100  }
0x7: {  	s22 =	simm.s32 $0x6900;
	s23 =	simm.s32 $0x7100;
	s24 =	simm.s32 $0x7900  }
0x8: {  	s25 =	simm.s32 $0x8100;
	s0 =	sand.u32 $0x1, s0;
	s4 =	sshll.u32 s3, $0x7  }
0x9: {  	s3 =	simm.s32 $0x0;
	s6 =	sadd.s32 $0x300, s1;
	s7 =	sadd.s32 $0x400, s1  }
0xa: {  	s5 =	sshll.u32 s0, $0x6;
	[smem:$0x7FF] =	sst s3;
	s0 =	ssub.s32 $0x2, s0  }
0xb: {  	s8 =	sor.u32 s5, s4;
	_ =	strace $0x80000047;
	s26 =	sshrl.u32 s0, $0x1  }
0xc: {  	s5 =	sadd.s32 $0x200, s1;
	[dreg:$0x8] =	wrdreg s29;
	s4 =	sshrl.u32 s8, $0x3  }
0xd: {  	s0 =	ssub.s32 s0, s26;
	s9 =	sshll.u32 s8, $0x8;
	s11 =	sor.u32 $0x20, s8  }
0xe: {  	s8 =	sadd.s32 $0x500, s1;
	s26 =	simm.s32 $0x1;
	s4 =	sadd.s32 s2, s4  }
0xf: {  	s9 =	sadd.s32 s10, s9;
	s12 =	sshrl.u32 s11, $0x3;
	[dreg:$0x4] =	wrdreg s4  }
0x10: {  	s11 =	sshll.u32 s11, $0x8;
	s4 =	sadd.s32 $0x100, s1;
	[dreg:$0x5] =	wrdreg s9  }
0x11: {  	v2 =	vlaneseq.u32;
	s2 =	sadd.s32 s2, s12;
	s9 =	sadd.s32 $0x600, s1;
	s28 =	sadd.s32 s10, s11  }
0x12: {  	vm0 =	vmmov $0xffff;
	v1 =	vshrl.u32 v2, $0x3;
	s10 =	sadd.s32 $0x700, s1;
	s11 =	smax.u32 s0, $0x1;
	[dreg:$0x6] =	wrdreg s2  }
0x13: {  	v0 =	vand.u32 $0x7, v2;
	v2 =	vor.u32 $0x8, v2;
	v1 =	vmul.u32 $0x8, v1;
	s12 =	simm.s32 $0x2;
	s0 =	simm.s32 $0x100;
	[dreg:$0x7] =	wrdreg s28  }
.LBB2_1:
0x14: {  	s28 =	rddreg [dreg:$0x4]  }
0x15: {  	[tilespmem:s3], [sflag:$0x2] =	stream.linear.gather [hbm4b:s28+s3], $0x20, $0x38;
	[tilespmem:$0x10100] =	vst v63  }
0x16: {  	_ =	swait.ge [sflag:s12], $0x20  }
0x17: {  	[sflag:s12] =	ssyncset.done $0x0  }
0x18: {  	[sflag:s12] =	ssyncadd.s32 $0xFFFFFFE0  }
0x19: {  	v3 =	vld [tilespmem:$0x0];
	_ =	sdelay $0x4  }
0x1a: {  	v4 =	vshll.u32 v3, $0x4  }
0x1b: {  	v3 =	vand.u32 $0x7, v3;
	v4 =	vand.u32 $0xFFFFFF80, v4  }
0x1c: {  	v3 =	vor.u32 v3, v4  }
0x1d: {  	v4 =	vperm.xlane v3, v0;
	_ =	sdelay $0x1  }
0x1e: {  	v4 =	vadd.s32 v1, v4;
	_ =	sdelay $0x4  }
0x1f: {  	[tilespmem:s0], [sflag:$0x1] =	stream.indirect_vreg.gather [hbm4b:s1+s3], $0x80, v4, vm0, $0xb8;
	[tilespmem:$0x10100] =	vst v63  }
0x20: {  	_ = 	snop  }
0x21: {  	[tilespmem:s30], [sflag:$0x1] =	stream.indirect_vreg.gather [hbm4b:s4+s3], $0x80, v4, vm0, $0xb8;
	[tilespmem:$0x10100] =	vst v63  }
0x22: {  	_ = 	snop  }
0x23: {  	[tilespmem:s31], [sflag:$0x1] =	stream.indirect_vreg.gather [hbm4b:s5+s3], $0x80, v4, vm0, $0xb8;
	[tilespmem:$0x10100] =	vst v63  }
0x24: {  	s2 =	simm.s32 $0x1900  }
0x25: {  	[tilespmem:s2], [sflag:$0x1] =	stream.indirect_vreg.gather [hbm4b:s6+s3], $0x80, v4, vm0, $0xb8;
	[tilespmem:$0x10100] =	vst v63  }
0x26: {  	s13 =	simm.s32 $0x2100  }
0x27: {  	[tilespmem:s13], [sflag:$0x1] =	stream.indirect_vreg.gather [hbm4b:s7+s3], $0x80, v4, vm0, $0xb8;
	[tilespmem:$0x10100] =	vst v63  }
0x28: {  	v3 =	vperm.xlane v3, v2  }
0x29: {  	[tilespmem:s14], [sflag:$0x1] =	stream.indirect_vreg.gather [hbm4b:s8+s3], $0x80, v4, vm0, $0xb8;
	[tilespmem:$0x10100] =	vst v63  }
0x2a: {  	v3 =	vadd.s32 v1, v3  }
0x2b: {  	[tilespmem:s15], [sflag:$0x1] =	stream.indirect_vreg.gather [hbm4b:s9+s3], $0x80, v4, vm0, $0xb8;
	[tilespmem:$0x10100] =	vst v63  }
0x2c: {  	_ = 	snop  }
0x2d: {  	[tilespmem:s16], [sflag:$0x1] =	stream.indirect_vreg.gather [hbm4b:s10+s3], $0x80, v4, vm0, $0xb8;
	[tilespmem:$0x10100] =	vst v63  }
0x2e: {  	_ = 	snop  }
0x2f: {  	[tilespmem:s17], [sflag:$0x1] =	stream.indirect_vreg.gather [hbm4b:s1+s3], $0x80, v3, vm0, $0xb8;
	[tilespmem:$0x10100] =	vst v63  }
0x30: {  	_ = 	snop  }
0x31: {  	[tilespmem:s18], [sflag:$0x1] =	stream.indirect_vreg.gather [hbm4b:s4+s3], $0x80, v3, vm0, $0xb8;
	[tilespmem:$0x10100] =	vst v63  }
0x32: {  	_ = 	snop  }
0x33: {  	[tilespmem:s19], [sflag:$0x1] =	stream.indirect_vreg.gather [hbm4b:s5+s3], $0x80, v3, vm0, $0xb8;
	[tilespmem:$0x10100] =	vst v63  }
0x34: {  	_ = 	snop  }
0x35: {  	[tilespmem:s20], [sflag:$0x1] =	stream.indirect_vreg.gather [hbm4b:s6+s3], $0x80, v3, vm0, $0xb8;
	[tilespmem:$0x10100] =	vst v63  }
0x36: {  	_ = 	snop  }
0x37: {  	[tilespmem:s21], [sflag:$0x1] =	stream.indirect_vreg.gather [hbm4b:s7+s3], $0x80, v3, vm0, $0xb8;
	[tilespmem:$0x10100] =	vst v63  }
0x38: {  	_ = 	snop  }
0x39: {  	[tilespmem:s22], [sflag:$0x1] =	stream.indirect_vreg.gather [hbm4b:s8+s3], $0x80, v3, vm0, $0xb8;
	[tilespmem:$0x10100] =	vst v63  }
0x3a: {  	_ = 	snop  }
0x3b: {  	[tilespmem:s23], [sflag:$0x1] =	stream.indirect_vreg.gather [hbm4b:s9+s3], $0x80, v3, vm0, $0xb8;
	[tilespmem:$0x10100] =	vst v63  }
0x3c: {  	_ = 	snop  }
0x3d: {  	[tilespmem:s24], [sflag:$0x1] =	stream.indirect_vreg.gather [hbm4b:s10+s3], $0x80, v3, vm0, $0xb8;
	[tilespmem:$0x10100] =	vst v63  }
0x3e: {  	v3 =	vld [tilespmem:$0x10];
	_ =	sdelay $0x4  }
0x3f: {  	v61 =	vshll.u32 v3, $0x4  }
0x40: {  	v3 =	vand.u32 $0x7, v3;
	v4 =	vand.u32 $0xFFFFFF80, v61  }
0x41: {  	v3 =	vor.u32 v3, v4  }
0x42: {  	v4 =	vperm.xlane v3, v0;
	_ =	sdelay $0x1  }
0x43: {  	v4 =	vadd.s32 v1, v4;
	_ =	sdelay $0x4  }
0x44: {  	[tilespmem:s25], [sflag:$0x1] =	stream.indirect_vreg.gather [hbm4b:s1+s3], $0x80, v4, vm0, $0xb8;
	[tilespmem:$0x10100] =	vst v63  }
0x45: {  	s13 =	simm.s32 $0x8900  }
0x46: {  	[tilespmem:s13], [sflag:$0x1] =	stream.indirect_vreg.gather [hbm4b:s4+s3], $0x80, v4, vm0, $0xb8;
	[tilespmem:$0x10100] =	vst v63  }
0x47: {  	s29 =	simm.s32 $0x9100  }
0x48: {  	[tilespmem:s29], [sflag:$0x1] =	stream.indirect_vreg.gather [hbm4b:s5+s3], $0x80, v4, vm0, $0xb8;
	[tilespmem:$0x10100] =	vst v63  }
0x49: {  	s29 =	simm.s32 $0x9900  }
0x4a: {  	[tilespmem:s29], [sflag:$0x1] =	stream.indirect_vreg.gather [hbm4b:s6+s3], $0x80, v4, vm0, $0xb8;
	[tilespmem:$0x10100] =	vst v63  }
0x4b: {  	s29 =	simm.s32 $0xA100  }
0x4c: {  	[tilespmem:s29], [sflag:$0x1] =	stream.indirect_vreg.gather [hbm4b:s7+s3], $0x80, v4, vm0, $0xb8;
	[tilespmem:$0x10100] =	vst v63  }
0x4d: {  	v3 =	vperm.xlane v3, v2;
	s29 =	simm.s32 $0xA900  }
0x4e: {  	[tilespmem:s29], [sflag:$0x1] =	stream.indirect_vreg.gather [hbm4b:s8+s3], $0x80, v4, vm0, $0xb8;
	[tilespmem:$0x10100] =	vst v63  }
0x4f: {  	v3 =	vadd.s32 v1, v3;
	s29 =	simm.s32 $0xB100  }
0x50: {  	[tilespmem:s29], [sflag:$0x1] =	stream.indirect_vreg.gather [hbm4b:s9+s3], $0x80, v4, vm0, $0xb8;
	[tilespmem:$0x10100] =	vst v63  }
0x51: {  	s29 =	simm.s32 $0xB900  }
0x52: {  	[tilespmem:s29], [sflag:$0x1] =	stream.indirect_vreg.gather [hbm4b:s10+s3], $0x80, v4, vm0, $0xb8;
	[tilespmem:$0x10100] =	vst v63  }
0x53: {  	s29 =	simm.s32 $0xC100  }
0x54: {  	[tilespmem:s29], [sflag:$0x1] =	stream.indirect_vreg.gather [hbm4b:s1+s3], $0x80, v3, vm0, $0xb8;
	[tilespmem:$0x10100] =	vst v63  }
0x55: {  	s29 =	simm.s32 $0xC900  }
0x56: {  	[tilespmem:s29], [sflag:$0x1] =	stream.indirect_vreg.gather [hbm4b:s4+s3], $0x80, v3, vm0, $0xb8;
	[tilespmem:$0x10100] =	vst v63  }
0x57: {  	s29 =	simm.s32 $0xD100  }
0x58: {  	[tilespmem:s29], [sflag:$0x1] =	stream.indirect_vreg.gather [hbm4b:s5+s3], $0x80, v3, vm0, $0xb8;
	[tilespmem:$0x10100] =	vst v63  }
0x59: {  	s29 =	simm.s32 $0xD900  }
0x5a: {  	[tilespmem:s29], [sflag:$0x1] =	stream.indirect_vreg.gather [hbm4b:s6+s3], $0x80, v3, vm0, $0xb8;
	[tilespmem:$0x10100] =	vst v63  }
0x5b: {  	s29 =	simm.s32 $0xE100  }
0x5c: {  	[tilespmem:s29], [sflag:$0x1] =	stream.indirect_vreg.gather [hbm4b:s7+s3], $0x80, v3, vm0, $0xb8;
	[tilespmem:$0x10100] =	vst v63  }
0x5d: {  	s29 =	simm.s32 $0xE900  }
0x5e: {  	[tilespmem:s29], [sflag:$0x1] =	stream.indirect_vreg.gather [hbm4b:s8+s3], $0x80, v3, vm0, $0xb8;
	[tilespmem:$0x10100] =	vst v63  }
0x5f: {  	s29 =	simm.s32 $0xF100  }
0x60: {  	[tilespmem:s29], [sflag:$0x1] =	stream.indirect_vreg.gather [hbm4b:s9+s3], $0x80, v3, vm0, $0xb8;
	[tilespmem:$0x10100] =	vst v63  }
0x61: {  	s29 =	simm.s32 $0xF900  }
0x62: {  	[tilespmem:s29], [sflag:$0x1] =	stream.indirect_vreg.gather [hbm4b:s10+s3], $0x80, v3, vm0, $0xb8;
	[tilespmem:$0x10100] =	vst v63  }
0x63: {  	_ =	swait.ge [sflag:s26], $0x10000  }
0x64: {  	[sflag:s26] =	ssyncset.done $0x0  }
0x65: {  	s29 =	rddreg [dreg:$0x5];
	[sflag:s26] =	ssyncadd.s32 $0xFFFF0000  }
0x66: {  	[hbm4b:s29+s3] =	stream.linear.scatter [tilespmem:s0], [sflag:$0x2], $0x10000, $0x38;
	[tilespmem:$0x10100] =	vst v63  }
0x67: {  	_ =	swait.ge [sflag:s12], $0x10000  }
0x68: {  	s28 =	rddreg [dreg:$0x6];
	[sflag:s12] =	ssyncset.done $0x0  }
0x69: {  	s29 =	rddreg [dreg:$0x8];
	[sflag:s12] =	ssyncadd.s32 $0xFFFF0000  }
0x6a: {  	[tilespmem:s29], [sflag:$0x2] =	stream.linear.gather [hbm4b:s28+s3], $0x20, $0x38;
	[tilespmem:$0x10100] =	vst v63  }
0x6b: {  	_ =	swait.ge [sflag:s12], $0x20  }
0x6c: {  	[sflag:s12] =	ssyncset.done $0x0  }
0x6d: {  	[sflag:s12] =	ssyncadd.s32 $0xFFFFFFE0  }
0x6e: {  	v3 =	vld [tilespmem:$0x80];
	_ =	sdelay $0x4  }
0x6f: {  	v62 =	vshll.u32 v3, $0x4  }
0x70: {  	v3 =	vand.u32 $0x7, v3;
	v4 =	vand.u32 $0xFFFFFF80, v62  }
0x71: {  	v3 =	vor.u32 v3, v4  }
0x72: {  	v4 =	vperm.xlane v3, v0;
	_ =	sdelay $0x1  }
0x73: {  	v4 =	vadd.s32 v1, v4;
	_ =	sdelay $0x4  }
0x74: {  	[tilespmem:s0], [sflag:$0x1] =	stream.indirect_vreg.gather [hbm4b:s1+s3], $0x80, v4, vm0, $0xb8;
	[tilespmem:$0x10100] =	vst v63  }
0x75: {  	_ = 	snop  }
0x76: {  	[tilespmem:s30], [sflag:$0x1] =	stream.indirect_vreg.gather [hbm4b:s4+s3], $0x80, v4, vm0, $0xb8;
	[tilespmem:$0x10100] =	vst v63  }
0x77: {  	_ = 	snop  }
0x78: {  	[tilespmem:s31], [sflag:$0x1] =	stream.indirect_vreg.gather [hbm4b:s5+s3], $0x80, v4, vm0, $0xb8;
	[tilespmem:$0x10100] =	vst v63  }
0x79: {  	_ = 	snop  }
0x7a: {  	[tilespmem:s2], [sflag:$0x1] =	stream.indirect_vreg.gather [hbm4b:s6+s3], $0x80, v4, vm0, $0xb8;
	[tilespmem:$0x10100] =	vst v63  }
0x7b: {  	s29 =	simm.s32 $0x2100  }
0x7c: {  	[tilespmem:s29], [sflag:$0x1] =	stream.indirect_vreg.gather [hbm4b:s7+s3], $0x80, v4, vm0, $0xb8;
	[tilespmem:$0x10100] =	vst v63  }
0x7d: {  	v3 =	vperm.xlane v3, v2  }
0x7e: {  	[tilespmem:s14], [sflag:$0x1] =	stream.indirect_vreg.gather [hbm4b:s8+s3], $0x80, v4, vm0, $0xb8;
	[tilespmem:$0x10100] =	vst v63  }
0x7f: {  	v3 =	vadd.s32 v1, v3  }
0x80: {  	[tilespmem:s15], [sflag:$0x1] =	stream.indirect_vreg.gather [hbm4b:s9+s3], $0x80, v4, vm0, $0xb8;
	[tilespmem:$0x10100] =	vst v63  }
0x81: {  	_ = 	snop  }
0x82: {  	[tilespmem:s16], [sflag:$0x1] =	stream.indirect_vreg.gather [hbm4b:s10+s3], $0x80, v4, vm0, $0xb8;
	[tilespmem:$0x10100] =	vst v63  }
0x83: {  	_ = 	snop  }
0x84: {  	[tilespmem:s17], [sflag:$0x1] =	stream.indirect_vreg.gather [hbm4b:s1+s3], $0x80, v3, vm0, $0xb8;
	[tilespmem:$0x10100] =	vst v63  }
0x85: {  	_ = 	snop  }
0x86: {  	[tilespmem:s18], [sflag:$0x1] =	stream.indirect_vreg.gather [hbm4b:s4+s3], $0x80, v3, vm0, $0xb8;
	[tilespmem:$0x10100] =	vst v63  }
0x87: {  	_ = 	snop  }
0x88: {  	[tilespmem:s19], [sflag:$0x1] =	stream.indirect_vreg.gather [hbm4b:s5+s3], $0x80, v3, vm0, $0xb8;
	[tilespmem:$0x10100] =	vst v63  }
0x89: {  	_ = 	snop  }
0x8a: {  	[tilespmem:s20], [sflag:$0x1] =	stream.indirect_vreg.gather [hbm4b:s6+s3], $0x80, v3, vm0, $0xb8;
	[tilespmem:$0x10100] =	vst v63  }
0x8b: {  	_ = 	snop  }
0x8c: {  	[tilespmem:s21], [sflag:$0x1] =	stream.indirect_vreg.gather [hbm4b:s7+s3], $0x80, v3, vm0, $0xb8;
	[tilespmem:$0x10100] =	vst v63  }
0x8d: {  	_ = 	snop  }
0x8e: {  	[tilespmem:s22], [sflag:$0x1] =	stream.indirect_vreg.gather [hbm4b:s8+s3], $0x80, v3, vm0, $0xb8;
	[tilespmem:$0x10100] =	vst v63  }
0x8f: {  	_ = 	snop  }
0x90: {  	[tilespmem:s23], [sflag:$0x1] =	stream.indirect_vreg.gather [hbm4b:s9+s3], $0x80, v3, vm0, $0xb8;
	[tilespmem:$0x10100] =	vst v63  }
0x91: {  	_ = 	snop  }
0x92: {  	[tilespmem:s24], [sflag:$0x1] =	stream.indirect_vreg.gather [hbm4b:s10+s3], $0x80, v3, vm0, $0xb8;
	[tilespmem:$0x10100] =	vst v63  }
0x93: {  	v3 =	vld [tilespmem:$0x90];
	_ =	sdelay $0x4  }
0x94: {  	v63 =	vshll.u32 v3, $0x4  }
0x95: {  	v3 =	vand.u32 $0x7, v3;
	v4 =	vand.u32 $0xFFFFFF80, v63  }
0x96: {  	v3 =	vor.u32 v3, v4  }
0x97: {  	v4 =	vperm.xlane v3, v0;
	_ =	sdelay $0x1  }
0x98: {  	v4 =	vadd.s32 v1, v4;
	_ =	sdelay $0x4  }
0x99: {  	[tilespmem:s25], [sflag:$0x1] =	stream.indirect_vreg.gather [hbm4b:s1+s3], $0x80, v4, vm0, $0xb8;
	[tilespmem:$0x10100] =	vst v63  }
0x9a: {  	_ = 	snop  }
0x9b: {  	[tilespmem:s13], [sflag:$0x1] =	stream.indirect_vreg.gather [hbm4b:s4+s3], $0x80, v4, vm0, $0xb8;
	[tilespmem:$0x10100] =	vst v63  }
0x9c: {  	s13 =	simm.s32 $0x9100  }
0x9d: {  	[tilespmem:s13], [sflag:$0x1] =	stream.indirect_vreg.gather [hbm4b:s5+s3], $0x80, v4, vm0, $0xb8;
	[tilespmem:$0x10100] =	vst v63  }
0x9e: {  	s28 =	simm.s32 $0x9900  }
0x9f: {  	[tilespmem:s28], [sflag:$0x1] =	stream.indirect_vreg.gather [hbm4b:s6+s3], $0x80, v4, vm0, $0xb8;
	[tilespmem:$0x10100] =	vst v63  }
0xa0: {  	s29 =	simm.s32 $0xA100  }
0xa1: {  	[tilespmem:s29], [sflag:$0x1] =	stream.indirect_vreg.gather [hbm4b:s7+s3], $0x80, v4, vm0, $0xb8;
	[tilespmem:$0x10100] =	vst v63  }
0xa2: {  	v3 =	vperm.xlane v3, v2;
	s13 =	simm.s32 $0xA900  }
0xa3: {  	[tilespmem:s13], [sflag:$0x1] =	stream.indirect_vreg.gather [hbm4b:s8+s3], $0x80, v4, vm0, $0xb8;
	[tilespmem:$0x10100] =	vst v63  }
0xa4: {  	v3 =	vadd.s32 v1, v3;
	s28 =	simm.s32 $0xB100  }
0xa5: {  	[tilespmem:s28], [sflag:$0x1] =	stream.indirect_vreg.gather [hbm4b:s9+s3], $0x80, v4, vm0, $0xb8;
	[tilespmem:$0x10100] =	vst v63  }
0xa6: {  	s29 =	simm.s32 $0xB900  }
0xa7: {  	[tilespmem:s29], [sflag:$0x1] =	stream.indirect_vreg.gather [hbm4b:s10+s3], $0x80, v4, vm0, $0xb8;
	[tilespmem:$0x10100] =	vst v63  }
0xa8: {  	s13 =	simm.s32 $0xC100  }
0xa9: {  	[tilespmem:s13], [sflag:$0x1] =	stream.indirect_vreg.gather [hbm4b:s1+s3], $0x80, v3, vm0, $0xb8;
	[tilespmem:$0x10100] =	vst v63  }
0xaa: {  	s28 =	simm.s32 $0xC900  }
0xab: {  	[tilespmem:s28], [sflag:$0x1] =	stream.indirect_vreg.gather [hbm4b:s4+s3], $0x80, v3, vm0, $0xb8;
	[tilespmem:$0x10100] =	vst v63  }
0xac: {  	s29 =	simm.s32 $0xD100  }
0xad: {  	[tilespmem:s29], [sflag:$0x1] =	stream.indirect_vreg.gather [hbm4b:s5+s3], $0x80, v3, vm0, $0xb8;
	[tilespmem:$0x10100] =	vst v63  }
0xae: {  	s13 =	simm.s32 $0xD900  }
0xaf: {  	[tilespmem:s13], [sflag:$0x1] =	stream.indirect_vreg.gather [hbm4b:s6+s3], $0x80, v3, vm0, $0xb8;
	[tilespmem:$0x10100] =	vst v63  }
0xb0: {  	s28 =	simm.s32 $0xE100  }
0xb1: {  	[tilespmem:s28], [sflag:$0x1] =	stream.indirect_vreg.gather [hbm4b:s7+s3], $0x80, v3, vm0, $0xb8;
	[tilespmem:$0x10100] =	vst v63  }
0xb2: {  	s29 =	simm.s32 $0xE900  }
0xb3: {  	[tilespmem:s29], [sflag:$0x1] =	stream.indirect_vreg.gather [hbm4b:s8+s3], $0x80, v3, vm0, $0xb8;
	[tilespmem:$0x10100] =	vst v63  }
0xb4: {  	s13 =	simm.s32 $0xF100  }
0xb5: {  	[tilespmem:s13], [sflag:$0x1] =	stream.indirect_vreg.gather [hbm4b:s9+s3], $0x80, v3, vm0, $0xb8;
	[tilespmem:$0x10100] =	vst v63  }
0xb6: {  	s28 =	simm.s32 $0xF900  }
0xb7: {  	[tilespmem:s28], [sflag:$0x1] =	stream.indirect_vreg.gather [hbm4b:s10+s3], $0x80, v3, vm0, $0xb8;
	[tilespmem:$0x10100] =	vst v63  }
0xb8: {  	_ =	swait.ge [sflag:s26], $0x10000  }
0xb9: {  	p0 =	sne.s32 s11, $0x1;
	[sflag:s26] =	ssyncset.done $0x0  }
.Ltmp0:
0xba: {  	s29 =	rddreg [dreg:$0x7];
	[sflag:s26] =	ssyncadd.s32 $0xFFFF0000;
	(pc) =	sbr.rel @p0 .LBB2_1-.Ltmp0, $4  }
0xbb: {  	[hbm4b:s29+s3] =	stream.linear.scatter [tilespmem:s0], [sflag:$0x2], $0x10000, $0x38;
	[tilespmem:$0x10100] =	vst v63  }
0xbc: {  	_ =	swait.ge [sflag:s12], $0x10000  }
0xbd: {  	[sflag:s12] =	ssyncset.done $0x0  }
0xbe: {  	s11 =	sadd.s32 $0xFFFFFFFF, s11;
	[sflag:s12] =	ssyncadd.s32 $0xFFFF0000  }
0xbf: {  	_ =	sfence.sel $0x180000  }
0xc0: {  	[bflag:$0x0] =	sbarrier.arrive $0xFFFF  }
0xc1: {  	_ =	strace $0x90000047  }
0xc2: {  	s0 =	stileid.u32;
	[bflag:$0x2] =	sbarrier.arrive $0xFFFF  }
0xc3: {  	p0 =	sne.s32 s0, $0x0;
	s0 =	rddreg [dreg:$0x3]  }
0xc4: {  	s0 =	sadd.s32 @!p0 $0x100000, s0  }
0xc5: {  	[sflag:s0] =	ssyncadd.tile.s32 @!p0 $0x1;
	_ =	shalt  }
.Lfunc_end2:
_tile_overlayer_lowered:
.L_overlay_start_2:
0xc6: {  	(tag) =	ssettag $0x2  }
0xc7: {  	s0 =	rddreg [dreg:$0x0];
	s2 =	stileid.u32  }
0xc8: {  	s1 =	rddreg [dreg:$0x1];
	p0 =	sne.s32 s2, $0x0  }
0xc9: {  	s3 =	rddreg [dreg:$0x2];
	[bflag:$0x3] =	sbarrier.arrive $0xFFFF;
	s2 =	simm.s32 @!p0 $0x1C02  }
0xca: {  	[timem:s3], [sflag:s2] =	dma.local @!p0 [hbm:s0], s1  }
0xcb: {  	s0 =	simm.s32 @!p0 $0x2  }
0xcc: {  	_ =	swait.ge @!p0 [sflag:s0], s1  }
0xcd: {  	s1 =	ssub.s32 @!p0 $0x0, s1;
	[sflag:s0] =	ssyncset.done @!p0 $0x0  }
0xce: {  	[sflag:s0] =	ssyncadd.s32 @!p0 s1  }
0xcf: {  	[bflag:$0x3] =	sbarrier.arrive $0xFFFF  }
0xd0: {  	_ =	shalt  }

</sc_bundles>
